<compile_context>
chip_gen: v7x
topology: tpu7x:2x2x1
jax: 0.10.2.dev20260603
libtpu: 0.0.44.dev20260713+nightly
codegen_flags: <defaults>
</compile_context>

<pallas_src>
import functools
import math

import jax
import jax.numpy as jnp
import numpy as np
from jax import lax
from jax.experimental import pallas as pl
from jax.experimental.pallas import tpu as pltpu
from jax.experimental.pallas import tpu_sc as plsc

B = 16
CIN = 768
COUT = 64
K = 8192
H = 16
W = 16
T = 256
SY = 8
SX = 32
NTOK = B * T
CT = CIN
KC = 8192
KT = 1024
MASK_PROB = 0.015

SC_NC = 2
SC_NS = 16
SC_NW = SC_NC * SC_NS
TOK_PER_W = NTOK // SC_NW


def _pos_tokens() -> np.ndarray:
    mask = np.ones((1, H, W), np.float64)
    y_embed = np.cumsum(mask, axis=1)
    x_embed = np.cumsum(mask, axis=2)
    eps = 1e-6
    y_embed = y_embed / (y_embed[:, -1:, :] + eps) * 2 * math.pi
    x_embed = x_embed / (x_embed[:, :, -1:] + eps) * 2 * math.pi
    d = COUT // 2
    dim_t = np.arange(d, dtype=np.float64)
    dim_t = 10000.0 ** (2 * np.floor(dim_t / 2) / d)
    px = x_embed[:, :, :, None] / dim_t
    py = y_embed[:, :, :, None] / dim_t
    px = np.stack((np.sin(px[:, :, :, 0::2]), np.cos(px[:, :, :, 1::2])),
                  axis=4).reshape(1, H, W, -1)
    py = np.stack((np.sin(py[:, :, :, 0::2]), np.cos(py[:, :, :, 1::2])),
                  axis=4).reshape(1, H, W, -1)
    pos = np.concatenate((py, px), axis=3)
    return pos.reshape(T, COUT).astype(np.float32)


_POS = _pos_tokens()
np.random.seed(0)
_TMP = int(np.random.randint(H * W))

_SEL = np.zeros((1024, T), np.float32)
_SEL[64 * (np.arange(T) // 16) + 2 * (np.arange(T) % 16), np.arange(T)] = 1.0


def _codebook_xform_body(cb_ref, wp_ref, bp_ref, t_ref, cbe_ref):
    cb = cb_ref[...]
    t = (jnp.dot(cb, wp_ref[...],
                 preferred_element_type=jnp.float32) + bp_ref[0])
    t_ref[...] = jnp.concatenate(
        [t, jnp.zeros((KT, COUT), jnp.float32)], axis=-1)
    cn = jnp.sum(cb * cb, axis=-1, keepdims=True)
    cbe_ref[...] = jnp.concatenate([-2.0 * cb, cn], axis=-1)


def _codebook_xform(codebook, Wp, bp):
    return pl.pallas_call(
        _codebook_xform_body,
        grid=(K // KT,),
        in_specs=[
            pl.BlockSpec((KT, COUT), lambda k: (k, 0)),
            pl.BlockSpec((COUT, COUT), lambda k: (0, 0)),
            pl.BlockSpec((1, COUT), lambda k: (0, 0)),
        ],
        out_specs=[
            pl.BlockSpec((KT, 2 * COUT), lambda k: (k, 0)),
            pl.BlockSpec((KT, COUT + 1), lambda k: (k, 0)),
        ],
        out_shape=[
            jax.ShapeDtypeStruct((K, 2 * COUT), jnp.float32),
            jax.ShapeDtypeStruct((K, COUT + 1), jnp.float32),
        ],
    )(codebook, Wp, bp.reshape(1, COUT))


def _encode_vq_body(img_ref, w1_ref, b1_ref, g1_ref, be1_ref, cbe_ref,
                    sel_ref, h_ref, idx_ref):
    x = img_ref[0]
    m1 = jnp.maximum(x, pltpu.roll(x, 992, axis=1))
    m2 = jnp.maximum(m1, pltpu.roll(m1, 1023, axis=1))
    p2 = lax.dot_general(m2, sel_ref[...], (((1,), (0,)), ((), ())),
                         preferred_element_type=jnp.float32)
    part = lax.dot_general(p2, w1_ref[...], (((0,), (0,)), ((), ())),
                           preferred_element_type=jnp.float32)

    h1 = part + b1_ref[0]
    m = jnp.mean(h1, axis=-1, keepdims=True)
    v = jnp.mean((h1 - m) ** 2, axis=-1, keepdims=True)
    h1 = (h1 - m) * lax.rsqrt(v + 1e-5) * g1_ref[0] + be1_ref[0]
    h1 = jnp.maximum(h1, 0.0)
    h_ref[0] = h1
    hp = jnp.concatenate(
        [h1, jnp.ones((T, 1), jnp.float32)], axis=-1)
    s = lax.dot_general(hp, cbe_ref[...], (((1,), (1,)), ((), ())),
                        preferred_element_type=jnp.float32)
    idx_ref[0] = jnp.argmin(s, axis=-1).astype(jnp.int32)[:, None]


def _encode_vq(img4, W1, b1, g1, be1, cbext):
    nb = img4.shape[0]
    return pl.pallas_call(
        _encode_vq_body,
        grid=(nb,),
        in_specs=[
            pl.BlockSpec((1, CT, 1024), lambda b: (b, 0, 0)),
            pl.BlockSpec((CT, COUT), lambda b: (0, 0)),
            pl.BlockSpec((1, COUT), lambda b: (0, 0)),
            pl.BlockSpec((1, COUT), lambda b: (0, 0)),
            pl.BlockSpec((1, COUT), lambda b: (0, 0)),
            pl.BlockSpec((K, COUT + 1), lambda b: (0, 0)),
            pl.BlockSpec((1024, T), lambda b: (0, 0)),
        ],
        out_specs=[
            pl.BlockSpec((1, T, COUT), lambda b: (b, 0, 0)),
            pl.BlockSpec((1, T, 1), lambda b: (b, 0, 0)),
        ],
        out_shape=[
            jax.ShapeDtypeStruct((nb, T, COUT), jnp.float32),
            jax.ShapeDtypeStruct((nb, T, 1), jnp.int32),
        ],
        compiler_params=pltpu.CompilerParams(
            fuse_transposed_lhs_in_matmul=True),
    )(img4, W1, b1.reshape(1, COUT), g1.reshape(1, COUT),
      be1.reshape(1, COUT), cbext, jnp.asarray(_SEL))


def _gather_rows(table, idx):
    mesh = plsc.VectorSubcoreMesh(core_axis_name="c", subcore_axis_name="s")
    n = idx.shape[0]
    tok_per_w = n // SC_NW

    @functools.partial(
        pl.kernel, mesh=mesh,
        out_type=jax.ShapeDtypeStruct((n, 2 * COUT), jnp.float32),
        scratch_types=[
            pltpu.VMEM((tok_per_w,), jnp.int32),
            pltpu.VMEM((tok_per_w, 2 * COUT), jnp.float32),
            pltpu.SemaphoreType.DMA,
        ],
    )
    def k(table_hbm, idx_hbm, out_hbm, idx_v, rows_v, sem):
        wid = lax.axis_index("s") * SC_NC + lax.axis_index("c")
        base = wid * tok_per_w
        pltpu.sync_copy(idx_hbm.at[pl.ds(base, tok_per_w)], idx_v)
        pltpu.async_copy(table_hbm.at[idx_v], rows_v, sem).wait()
        pltpu.sync_copy(rows_v, out_hbm.at[pl.ds(base, tok_per_w)])

    return k(table, idx)


def _finish_body(q_ref, h_ref, idx_ref, bern_ref, pos_ref, me_ref,
                 g2_ref, be2_ref, xqo_ref, lab_ref):
    idxv = idx_ref[0]
    bern = bern_ref[0]
    ti = lax.broadcasted_iota(jnp.int32, (T, 1), 0)
    tl = jnp.sum(jnp.where(ti == _TMP, idxv, 0), axis=0, keepdims=True)
    msk = (idxv == tl) & (bern > 0.5)
    mf = msk.astype(jnp.float32)
    emb = q_ref[0][:, :COUT] + h_ref[0]
    emb = emb * (1.0 - mf) + me_ref[0] * mf
    emb = emb + pos_ref[...]
    m = jnp.mean(emb, axis=-1, keepdims=True)
    v = jnp.mean((emb - m) ** 2, axis=-1, keepdims=True)
    xqo_ref[0] = (emb - m) * lax.rsqrt(v + 1e-5) * g2_ref[0] + be2_ref[0]
    lab_ref[0] = jnp.where(msk, idxv, -100)


def _finish(q3, h3, idx3, bern3, mask_emb, g2, be2):
    nb = q3.shape[0]
    return pl.pallas_call(
        _finish_body,
        grid=(nb,),
        in_specs=[
            pl.BlockSpec((1, T, 2 * COUT), lambda b: (b, 0, 0)),
            pl.BlockSpec((1, T, COUT), lambda b: (b, 0, 0)),
            pl.BlockSpec((1, T, 1), lambda b: (b, 0, 0)),
            pl.BlockSpec((1, T, 1), lambda b: (b, 0, 0)),
            pl.BlockSpec((T, COUT), lambda b: (0, 0)),
            pl.BlockSpec((1, COUT), lambda b: (0, 0)),
            pl.BlockSpec((1, COUT), lambda b: (0, 0)),
            pl.BlockSpec((1, COUT), lambda b: (0, 0)),
        ],
        out_specs=[
            pl.BlockSpec((1, T, COUT), lambda b: (b, 0, 0)),
            pl.BlockSpec((1, T, 1), lambda b: (b, 0, 0)),
        ],
        out_shape=[
            jax.ShapeDtypeStruct((nb, T, COUT), jnp.float32),
            jax.ShapeDtypeStruct((nb, T, 1), jnp.int32),
        ],
    )(q3, h3, idx3, bern3, jnp.asarray(_POS), mask_emb,
      g2.reshape(1, COUT), be2.reshape(1, COUT))


def kernel(img, W1, b1, g1, be1, codebook, Wp, bp, mask_emb, g2, be2):
    img4 = img.reshape(B, CIN, 1024)

    tbl, cbext = _codebook_xform(codebook, Wp, bp)

    bern = jax.random.bernoulli(jax.random.key(42), MASK_PROB,
                                (B, 1, 1)).astype(jnp.float32)
    bern3 = jnp.broadcast_to(bern, (B, T, 1))

    h4, idx3d = _encode_vq(img4, W1, b1, g1, be1, cbext)
    q = _gather_rows(tbl, idx3d.reshape(NTOK))
    xqo, lab = _finish(q.reshape(B, T, 2 * COUT), h4.reshape(B, T, COUT),
                       idx3d, bern3, mask_emb, g2, be2)
    vm = jnp.ones((B, T), jnp.int32)
    return (xqo, vm, lab.reshape(B, T))

# --- scband reference (transcript-rebuilt; emitter-appended) ---
"""Pipeline reference for scband-simple-vdfor-pre-48524540510486 (READ-ONLY COPY).

The authoritative reference and input builder live on the scoring server;
editing this copy changes nothing except your own understanding.
"""

import jax, jax.numpy as jnp
import numpy as np
import math

B, CIN, H_IMG, W_IMG = 16, 768, 32, 32
COUT = 64
K = 8192
MASK_PROB = 0.015


def setup_inputs(seed: int = 0) -> dict:
    key = jax.random.key(seed)
    ks = jax.random.split(key, 8)
    img = jax.random.normal(ks[0], (B, CIN, H_IMG, W_IMG), dtype=jnp.float32)
    W1 = jax.random.normal(ks[1], (CIN, COUT), dtype=jnp.float32) * 0.02
    b1 = jnp.zeros((COUT,), jnp.float32)
    g1 = jnp.ones((COUT,), jnp.float32)
    be1 = jnp.zeros((COUT,), jnp.float32)
    codebook = jax.random.normal(ks[2], (K, COUT), dtype=jnp.float32) * 0.02
    Wp = jax.random.normal(ks[3], (COUT, COUT), dtype=jnp.float32) * 0.02
    bp = jnp.zeros((COUT,), jnp.float32)
    mask_emb = jax.random.normal(ks[4], (1, COUT), dtype=jnp.float32) * 0.02
    g2 = jnp.ones((COUT,), jnp.float32)
    be2 = jnp.zeros((COUT,), jnp.float32)
    return {"img": img, "W1": W1, "b1": b1, "g1": g1, "be1": be1,
            "codebook": codebook, "Wp": Wp, "bp": bp, "mask_emb": mask_emb,
            "g2": g2, "be2": be2}


def _layernorm(x, g, b):
    m = jnp.mean(x, axis=-1, keepdims=True)
    v = jnp.var(x, axis=-1, keepdims=True)
    return (x - m) / jnp.sqrt(v + 1e-5) * g + b


def _maxpool2(x):
    return jax.lax.reduce_window(x, -jnp.inf, jax.lax.max,
                                 (1, 1, 2, 2), (1, 1, 2, 2), 'VALID')


def _pos_enc(mask, out_channels):
    y_embed = jnp.cumsum(mask, axis=1)
    x_embed = jnp.cumsum(mask, axis=2)
    eps = 1e-6
    y_embed = y_embed / (y_embed[:, -1:, :] + eps) * 2 * math.pi
    x_embed = x_embed / (x_embed[:, :, -1:] + eps) * 2 * math.pi
    d = out_channels // 2
    dim_t = jnp.arange(d, dtype=jnp.float32)
    dim_t = 10000.0 ** (2 * jnp.floor(dim_t / 2) / d)
    px = x_embed[:, :, :, None] / dim_t
    py = y_embed[:, :, :, None] / dim_t
    b, h, w = mask.shape
    px = jnp.stack((jnp.sin(px[:, :, :, 0::2]), jnp.cos(px[:, :, :, 1::2])), axis=4).reshape(b, h, w, -1)
    py = jnp.stack((jnp.sin(py[:, :, :, 0::2]), jnp.cos(py[:, :, :, 1::2])), axis=4).reshape(b, h, w, -1)
    pos = jnp.concatenate((py, px), axis=3).transpose(0, 3, 1, 2)
    return pos


def reference(img, W1, b1, g1, be1, codebook, Wp, bp, mask_emb, g2, be2):
    # img corresponds to img[-1] in the torch module
    x = _maxpool2(img)
    b, _, h, w = x.shape
    # self.conv interpreted as the pointwise Linear+LN+ReLU block (self.linear)
    xh = x.transpose(0, 2, 3, 1)
    h1 = xh @ W1 + b1
    h1 = _layernorm(h1, g1, be1)
    h1 = jax.nn.relu(h1)
    xq = h1.transpose(0, 3, 1, 2)
    xq_img = xq
    c = xq.shape[1]
    inputs_flatten = xq.transpose(0, 2, 3, 1).reshape(b * h * w, c)
    # SOHO_Pre_VD: nearest-neighbor VQ with straight-through estimator
    d2 = (jnp.sum(inputs_flatten ** 2, axis=1, keepdims=True)
          - 2.0 * inputs_flatten @ codebook.T
          + jnp.sum(codebook ** 2, axis=1)[None, :])
    idx = jnp.argmin(d2, axis=1)
    quantized = jnp.take(codebook, idx, axis=0)
    quantized = inputs_flatten + jax.lax.stop_gradient(quantized - inputs_flatten)
    # pos_align linear
    quantized = quantized @ Wp + bp
    emb = quantized.reshape(b, w * h, c).transpose(0, 2, 1).reshape(b, c, h, w)
    emb = emb + xq_img
    # visual mask: images fill padded canvas -> all ones after nearest interpolation
    vis = jnp.ones((b, 1, h, w), jnp.float32)
    pos = _pos_enc(vis[:, 0, :, :], c)
    indices = idx.reshape(b, 1, h, w).astype(jnp.float32)
    indices = indices * vis - 100.0 * (1.0 - vis)
    np.random.seed(0)
    tmp = int(np.random.randint(h * w))
    tmp_label = indices[:, :, tmp // w, tmp % w].reshape(b, 1, 1, 1)
    masked_indices = (indices == tmp_label).astype(jnp.float32)
    masked_indices = masked_indices * vis
    bern = jax.random.bernoulli(jax.random.key(42), MASK_PROB, (b, 1, 1, 1)).astype(jnp.float32)
    masked_indices = masked_indices * bern
    me = mask_emb.reshape(1, c, 1, 1)
    emb = emb * (1.0 - masked_indices) + me * masked_indices
    emb = emb + pos
    xqo = _layernorm(emb.transpose(0, 2, 3, 1), g2, be2).transpose(0, 3, 1, 2)
    labels = indices * masked_indices - 100.0 * (1.0 - masked_indices)
    labels = labels.astype(jnp.int32).reshape(b, -1)
    xqo = xqo.reshape(b, c, h * w).transpose(0, 2, 1)
    vm = vis.reshape(b, -1).astype(jnp.int32)
    return (xqo, vm, labels)

if __name__ == "__main__":
    import jax
    _d = setup_inputs()
    print(jax.jit(kernel)(*tuple(_d.values())))

</pallas_src>

<mosaic_0001>
#map = affine_map<(d0, d1) -> (0, 0)>
#map1 = affine_map<(d0, d1) -> (0)>
module attributes {stable_mosaic.version = 14 : i64} {
  func.func @k(%arg0: i32, %arg1: i32, %arg2: memref<8192x128xf32, #tpu.memory_space<hbm>>, %arg3: memref<4096xi32, #tpu.memory_space<hbm>>, %arg4: memref<4096x128xf32, #tpu.memory_space<hbm>>, %arg5: memref<128xi32, #tpu.memory_space<vmem>>, %arg6: memref<128x128xf32, #tpu.memory_space<vmem>>, %arg7: memref<!tpu.dma_semaphore, #tpu.memory_space<semaphore_mem>>) attributes {dimension_semantics = [#tpu.dimension_semantics<core_parallel>, #tpu.dimension_semantics<subcore_parallel>], iteration_bounds = array<i64: 2, 16>, scalar_prefetch = 0 : i64, scratch_operands = 3 : i64, tpu.core_type = #tpu.core_type<sc_vector_subcore>, window_params = [{transform_indices = #map}, {transform_indices = #map1}, {transform_indices = #map}]} {
    %mul3A = arith.constant 2 : i32
    %mul3A_0 = arith.muli %arg1, %mul3A : i32
    %add3A = arith.addi %mul3A_0, %arg0 : i32
    %mul3A_1 = arith.constant 128 : i32
    %mul3A_2 = arith.muli %add3A, %mul3A_1 : i32
    "tpu.region"() ({
      %run_scoped3A = tpu.sem_alloc : memref<!tpu.dma_semaphore, #tpu.memory_space<semaphore_mem>>
      %dma_start3A_7 = tpu.memref_slice %arg3[%mul3A_2] : memref<4096xi32, #tpu.memory_space<hbm>> -> memref<128xi32, #tpu.memory_space<hbm>>
      %dma_start3A_8 = tpu.memref_slice %arg3[%mul3A_2] : memref<4096xi32, #tpu.memory_space<hbm>> -> memref<128xi32, #tpu.memory_space<hbm>>
      tpu.enqueue_dma source(%dma_start3A_8 : memref<128xi32, #tpu.memory_space<hbm>>) target(%arg5 : memref<128xi32, #tpu.memory_space<vmem>>) target_semaphore(%run_scoped3A : memref<!tpu.dma_semaphore, #tpu.memory_space<semaphore_mem>>)
      %dma_wait3A_9 = tpu.memref_slice %arg3[%mul3A_2] : memref<4096xi32, #tpu.memory_space<hbm>> -> memref<128xi32, #tpu.memory_space<hbm>>
      %dma_wait3A_10 = tpu.memref_slice %arg3[%mul3A_2] : memref<4096xi32, #tpu.memory_space<hbm>> -> memref<128xi32, #tpu.memory_space<hbm>>
      tpu.wait_dma2 semaphore(%run_scoped3A : memref<!tpu.dma_semaphore, #tpu.memory_space<semaphore_mem>>) src(%dma_wait3A_10 : memref<128xi32, #tpu.memory_space<hbm>>) dst(%arg5 : memref<128xi32, #tpu.memory_space<vmem>>)
      tpu.yield
    }) : () -> ()
    %dma_start3A = arith.constant 0 : i32
    %dma_start3A_3 = arith.constant 0 : i32
    %dma_start3A_4 = tpu.memref_slice %arg2[%dma_start3A, %dma_start3A_3] : memref<8192x128xf32, #tpu.memory_space<hbm>> -> memref<8192x128xf32, #tpu.memory_space<hbm>>
    tpu.enqueue_indirect_dma source(%dma_start3A_4 : memref<8192x128xf32, #tpu.memory_space<hbm>>) target(%arg6 : memref<128x128xf32, #tpu.memory_space<vmem>>) offsets(%arg5 : memref<128xi32, #tpu.memory_space<vmem>>) semaphore(%arg7 : memref<!tpu.dma_semaphore, #tpu.memory_space<semaphore_mem>>)
    %dma_wait3A = arith.constant 0 : i32
    %dma_wait3A_5 = arith.constant 0 : i32
    %dma_wait3A_6 = tpu.memref_slice %arg2[%dma_wait3A, %dma_wait3A_5] : memref<8192x128xf32, #tpu.memory_space<hbm>> -> memref<8192x128xf32, #tpu.memory_space<hbm>>
    tpu.wait_indirect_dma semaphore(%arg7 : memref<!tpu.dma_semaphore, #tpu.memory_space<semaphore_mem>>) src(%dma_wait3A_6 : memref<8192x128xf32, #tpu.memory_space<hbm>>) dst(%arg6 : memref<128x128xf32, #tpu.memory_space<vmem>>)
    "tpu.region"() ({
      %run_scoped3A = tpu.sem_alloc : memref<!tpu.dma_semaphore, #tpu.memory_space<semaphore_mem>>
      %dma_start3A_7 = arith.constant 0 : i32
      %dma_start3A_8 = tpu.memref_slice %arg4[%mul3A_2, %dma_start3A_7] : memref<4096x128xf32, #tpu.memory_space<hbm>> -> memref<128x128xf32, #tpu.memory_space<hbm>>
      %dma_start3A_9 = arith.constant 0 : i32
      %dma_start3A_10 = tpu.memref_slice %arg4[%mul3A_2, %dma_start3A_9] : memref<4096x128xf32, #tpu.memory_space<hbm>> -> memref<128x128xf32, #tpu.memory_space<hbm>>
      tpu.enqueue_dma source(%arg6 : memref<128x128xf32, #tpu.memory_space<vmem>>) target(%dma_start3A_10 : memref<128x128xf32, #tpu.memory_space<hbm>>) target_semaphore(%run_scoped3A : memref<!tpu.dma_semaphore, #tpu.memory_space<semaphore_mem>>)
      %dma_wait3A_11 = arith.constant 0 : i32
      %dma_wait3A_12 = tpu.memref_slice %arg4[%mul3A_2, %dma_wait3A_11] : memref<4096x128xf32, #tpu.memory_space<hbm>> -> memref<128x128xf32, #tpu.memory_space<hbm>>
      %dma_wait3A_13 = arith.constant 0 : i32
      %dma_wait3A_14 = tpu.memref_slice %arg4[%mul3A_2, %dma_wait3A_13] : memref<4096x128xf32, #tpu.memory_space<hbm>> -> memref<128x128xf32, #tpu.memory_space<hbm>>
      tpu.wait_dma2 semaphore(%run_scoped3A : memref<!tpu.dma_semaphore, #tpu.memory_space<semaphore_mem>>) src(%arg6 : memref<128x128xf32, #tpu.memory_space<vmem>>) dst(%dma_wait3A_14 : memref<128x128xf32, #tpu.memory_space<hbm>>)
      tpu.yield
    }) : () -> ()
    return
  }
}

module attributes {stable_mosaic.version = 14 : i64} {
  func.func @_codebook_xform_body(%arg0: i32, %arg1: memref<1024x64xf32, #tpu.memory_space<vmem>>, %arg2: memref<64x64xf32, #tpu.memory_space<vmem>>, %arg3: memref<1x64xf32, #tpu.memory_space<vmem>>, %arg4: memref<1024x128xf32, #tpu.memory_space<vmem>>, %arg5: memref<1024x65xf32, #tpu.memory_space<vmem>>) attributes {dimension_semantics = [#tpu.dimension_semantics<arbitrary>], iteration_bounds = array<i64: 8>, scalar_prefetch = 0 : i64, scratch_operands = 0 : i64, tpu.core_type = #tpu.core_type<tc>, window_params = [{transform_indices = @transform_0, window_bounds = array<i64: 1024, 64>}, {pipeline_mode = #tpu.pipeline_mode<synchronous>, transform_indices = @transform_1, window_bounds = array<i64: 64, 64>}, {pipeline_mode = #tpu.pipeline_mode<synchronous>, transform_indices = @transform_2, window_bounds = array<i64: 1, 64>}, {transform_indices = @transform_3, window_bounds = array<i64: 1024, 128>}, {transform_indices = @transform_4, window_bounds = array<i64: 1024, 65>}]} {
    %get3A = arith.constant 0 : index
    %get3A_0 = arith.constant 0 : index
    %get3A_1 = vector.load %arg1[%get3A, %get3A_0] : memref<1024x64xf32, #tpu.memory_space<vmem>>, vector<1024x64xf32>
    %get3A_2 = arith.constant 0 : index
    %get3A_3 = arith.constant 0 : index
    %get3A_4 = vector.load %arg2[%get3A_2, %get3A_3] : memref<64x64xf32, #tpu.memory_space<vmem>>, vector<64x64xf32>
    %dot_general3A = arith.constant dense<0.000000e+00> : vector<1024x64xf32>
    %dot_general3A_5 = tpu.matmul %get3A_1, %get3A_4, %dot_general3A {dimension_numbers = #tpu.dot_dimension_numbers<[1], [0], [0], [1], [0, 0, 1, 1], [], []>, transpose_lhs_hint = false} : vector<1024x64xf32>, vector<64x64xf32>, vector<1024x64xf32> -> vector<1024x64xf32>
    %get3A_6 = arith.constant 0 : index
    %get3A_7 = arith.constant 0 : index
    %get3A_8 = vector.load %arg3[%get3A_6, %get3A_7] : memref<1x64xf32, #tpu.memory_space<vmem>>, vector<1x64xf32>
    %get3A_9 = vector.shape_cast %get3A_8 : vector<1x64xf32> to vector<64xf32>
    %broadcast_in_dim3A = vector.shape_cast %get3A_9 : vector<64xf32> to vector<1x64xf32>
    %add3A = vector.broadcast %broadcast_in_dim3A : vector<1x64xf32> to vector<1024x64xf32>
    %add3A_10 = arith.addf %dot_general3A_5, %add3A : vector<1024x64xf32>
    %broadcast_in_dim3A_11 = arith.constant 0.000000e+00 : f32
    %broadcast_in_dim3A_12 = vector.broadcast %broadcast_in_dim3A_11 : f32 to vector<1024x64xf32>
    %concatenate3A = tpu.concatenate %add3A_10, %broadcast_in_dim3A_12 in 1 : vector<1024x64xf32>, vector<1024x64xf32> -> vector<1024x128xf32>
    %swap3A = arith.constant 0 : index
    %swap3A_13 = arith.constant 0 : index
    %swap3A_14 = vector.load %arg4[%swap3A, %swap3A_13] : memref<1024x128xf32, #tpu.memory_space<vmem>>, vector<1024x128xf32>
    tpu.vector_store %arg4[%swap3A, %swap3A_13], %concatenate3A {strides = array<i32>} : memref<1024x128xf32, #tpu.memory_space<vmem>>, vector<1024x128xf32>,
    %mul3A = arith.mulf %get3A_1, %get3A_1 : vector<1024x64xf32>
    %reduce_sum3A = arith.constant dense<0.000000e+00> : vector<1024xf32>
    %reduce_sum3A_15 = vector.multi_reduction <add>, %mul3A, %reduce_sum3A [1] : vector<1024x64xf32> to vector<1024xf32>
    %broadcast_in_dim3A_16 = vector.shape_cast %reduce_sum3A_15 : vector<1024xf32> to vector<1024x1xf32>
    %mul3A_17 = arith.constant -2.000000e+00 : f32
    %mul3A_18 = vector.broadcast %mul3A_17 : f32 to vector<1024x64xf32>
    %mul3A_19 = arith.mulf %mul3A_18, %get3A_1 : vector<1024x64xf32>
    %concatenate3A_20 = tpu.concatenate %mul3A_19, %broadcast_in_dim3A_16 in 1 : vector<1024x64xf32>, vector<1024x1xf32> -> vector<1024x65xf32>
    %swap3A_21 = arith.constant 0 : index
    %swap3A_22 = arith.constant 0 : index
    %swap3A_23 = vector.load %arg5[%swap3A_21, %swap3A_22] : memref<1024x65xf32, #tpu.memory_space<vmem>>, vector<1024x65xf32>
    tpu.vector_store %arg5[%swap3A_21, %swap3A_22], %concatenate3A_20 {strides = array<i32>} : memref<1024x65xf32, #tpu.memory_space<vmem>>, vector<1024x65xf32>,
    return
  }
  func.func @transform_0(%arg0: i32) -> (i32, i32) {
    %c0_i32 = arith.constant 0 : i32
    %c0_i32_0 = arith.constant 0 : i32
    return %arg0, %c0_i32 : i32, i32
  }
  func.func @transform_1(%arg0: i32) -> (i32, i32) {
    %c0_i32 = arith.constant 0 : i32
    %c0_i32_0 = arith.constant 0 : i32
    %c0_i32_1 = arith.constant 0 : i32
    return %c0_i32, %c0_i32_0 : i32, i32
  }
  func.func @transform_2(%arg0: i32) -> (i32, i32) {
    %c0_i32 = arith.constant 0 : i32
    %c0_i32_0 = arith.constant 0 : i32
    %c0_i32_1 = arith.constant 0 : i32
    return %c0_i32, %c0_i32_0 : i32, i32
  }
  func.func @transform_3(%arg0: i32) -> (i32, i32) {
    %c0_i32 = arith.constant 0 : i32
    %c0_i32_0 = arith.constant 0 : i32
    return %arg0, %c0_i32 : i32, i32
  }
  func.func @transform_4(%arg0: i32) -> (i32, i32) {
    %c0_i32 = arith.constant 0 : i32
    %c0_i32_0 = arith.constant 0 : i32
    return %arg0, %c0_i32 : i32, i32
  }
}

module attributes {stable_mosaic.version = 14 : i64} {
  func.func @_encode_vq_body(%arg0: i32, %arg1: memref<1x768x1024xf32, #tpu.memory_space<vmem>>, %arg2: memref<768x64xf32, #tpu.memory_space<vmem>>, %arg3: memref<1x64xf32, #tpu.memory_space<vmem>>, %arg4: memref<1x64xf32, #tpu.memory_space<vmem>>, %arg5: memref<1x64xf32, #tpu.memory_space<vmem>>, %arg6: memref<8192x65xf32, #tpu.memory_space<vmem>>, %arg7: memref<1024x256xf32, #tpu.memory_space<vmem>>, %arg8: memref<1x256x64xf32, #tpu.memory_space<vmem>>, %arg9: memref<1x256x1xi32, #tpu.memory_space<vmem>>) attributes {dimension_semantics = [#tpu.dimension_semantics<arbitrary>], iteration_bounds = array<i64: 16>, scalar_prefetch = 0 : i64, scratch_operands = 0 : i64, tpu.core_type = #tpu.core_type<tc>, window_params = [{transform_indices = @transform_0, window_bounds = array<i64: 1, 768, 1024>}, {pipeline_mode = #tpu.pipeline_mode<synchronous>, transform_indices = @transform_1, window_bounds = array<i64: 768, 64>}, {pipeline_mode = #tpu.pipeline_mode<synchronous>, transform_indices = @transform_2, window_bounds = array<i64: 1, 64>}, {pipeline_mode = #tpu.pipeline_mode<synchronous>, transform_indices = @transform_3, window_bounds = array<i64: 1, 64>}, {pipeline_mode = #tpu.pipeline_mode<synchronous>, transform_indices = @transform_4, window_bounds = array<i64: 1, 64>}, {pipeline_mode = #tpu.pipeline_mode<synchronous>, transform_indices = @transform_5, window_bounds = array<i64: 8192, 65>}, {pipeline_mode = #tpu.pipeline_mode<synchronous>, transform_indices = @transform_6, window_bounds = array<i64: 1024, 256>}, {transform_indices = @transform_7, window_bounds = array<i64: 1, 256, 64>}, {transform_indices = @transform_8, window_bounds = array<i64: 1, 256, 1>}]} {
    %get3A = arith.constant 0 : index
    %get3A_0 = arith.constant 0 : index
    %get3A_1 = arith.constant 0 : index
    %get3A_2 = vector.load %arg1[%get3A, %get3A_0, %get3A_1] : memref<1x768x1024xf32, #tpu.memory_space<vmem>>, vector<1x768x1024xf32>
    %get3A_3 = vector.shape_cast %get3A_2 : vector<1x768x1024xf32> to vector<768x1024xf32>
    %roll3A = arith.constant 992 : i32
    %roll3A_4 = tpu.dynamic_rotate %get3A_3 by %roll3A dim 1 : vector<768x1024xf32>, i32 -> vector<768x1024xf32>
    %max3A = arith.maximumf %get3A_3, %roll3A_4 : vector<768x1024xf32>
    %roll3A_5 = arith.constant 1023 : i32
    %roll3A_6 = tpu.dynamic_rotate %max3A by %roll3A_5 dim 1 : vector<768x1024xf32>, i32 -> vector<768x1024xf32>
    %max3A_7 = arith.maximumf %max3A, %roll3A_6 : vector<768x1024xf32>
    %get3A_8 = arith.constant 0 : index
    %get3A_9 = arith.constant 0 : index
    %get3A_10 = vector.load %arg7[%get3A_8, %get3A_9] : memref<1024x256xf32, #tpu.memory_space<vmem>>, vector<1024x256xf32>
    %dot_general3A = arith.constant dense<0.000000e+00> : vector<768x256xf32>
    %dot_general3A_11 = tpu.matmul %max3A_7, %get3A_10, %dot_general3A {dimension_numbers = #tpu.dot_dimension_numbers<[1], [0], [0], [1], [0, 0, 1, 1], [], []>, transpose_lhs_hint = false} : vector<768x1024xf32>, vector<1024x256xf32>, vector<768x256xf32> -> vector<768x256xf32>
    %get3A_12 = arith.constant 0 : index
    %get3A_13 = arith.constant 0 : index
    %get3A_14 = vector.load %arg2[%get3A_12, %get3A_13] : memref<768x64xf32, #tpu.memory_space<vmem>>, vector<768x64xf32>
    %dot_general3A_15 = arith.constant dense<0.000000e+00> : vector<256x64xf32>
    %dot_general3A_16 = tpu.matmul %dot_general3A_11, %get3A_14, %dot_general3A_15 {dimension_numbers = #tpu.dot_dimension_numbers<[0], [0], [1], [1], [0, 1, 1, 1], [], []>, transpose_lhs_hint = true} : vector<768x256xf32>, vector<768x64xf32>, vector<256x64xf32> -> vector<256x64xf32>
    %get3A_17 = arith.constant 0 : index
    %get3A_18 = arith.constant 0 : index
    %get3A_19 = vector.load %arg3[%get3A_17, %get3A_18] : memref<1x64xf32, #tpu.memory_space<vmem>>, vector<1x64xf32>
    %get3A_20 = vector.shape_cast %get3A_19 : vector<1x64xf32> to vector<64xf32>
    %broadcast_in_dim3A = vector.shape_cast %get3A_20 : vector<64xf32> to vector<1x64xf32>
    %add3A = vector.broadcast %broadcast_in_dim3A : vector<1x64xf32> to vector<256x64xf32>
    %add3A_21 = arith.addf %dot_general3A_16, %add3A : vector<256x64xf32>
    %reduce_sum3A = arith.constant dense<0.000000e+00> : vector<256xf32>
    %reduce_sum3A_22 = vector.multi_reduction <add>, %add3A_21, %reduce_sum3A [1] : vector<256x64xf32> to vector<256xf32>
    %broadcast_in_dim3A_23 = vector.shape_cast %reduce_sum3A_22 : vector<256xf32> to vector<256x1xf32>
    %div3A = arith.constant 6.400000e+01 : f32
    %div3A_24 = vector.broadcast %div3A : f32 to vector<256x1xf32>
    %div3A_25 = arith.divf %broadcast_in_dim3A_23, %div3A_24 : vector<256x1xf32>
    %sub3A = vector.broadcast %div3A_25 : vector<256x1xf32> to vector<256x64xf32>
    %sub3A_26 = arith.subf %add3A_21, %sub3A : vector<256x64xf32>
    %integer_pow3A = arith.mulf %sub3A_26, %sub3A_26 : vector<256x64xf32>
    %reduce_sum3A_27 = arith.constant dense<0.000000e+00> : vector<256xf32>
    %reduce_sum3A_28 = vector.multi_reduction <add>, %integer_pow3A, %reduce_sum3A_27 [1] : vector<256x64xf32> to vector<256xf32>
    %broadcast_in_dim3A_29 = vector.shape_cast %reduce_sum3A_28 : vector<256xf32> to vector<256x1xf32>
    %div3A_30 = arith.constant 6.400000e+01 : f32
    %div3A_31 = vector.broadcast %div3A_30 : f32 to vector<256x1xf32>
    %div3A_32 = arith.divf %broadcast_in_dim3A_29, %div3A_31 : vector<256x1xf32>
    %sub3A_33 = vector.broadcast %div3A_25 : vector<256x1xf32> to vector<256x64xf32>
    %sub3A_34 = arith.subf %add3A_21, %sub3A_33 : vector<256x64xf32>
    %add3A_35 = arith.constant 9.99999974E-6 : f32
    %add3A_36 = vector.broadcast %add3A_35 : f32 to vector<256x1xf32>
    %add3A_37 = arith.addf %div3A_32, %add3A_36 : vector<256x1xf32>
    %rsqrt3A = math.rsqrt %add3A_37 : vector<256x1xf32>
    %mul3A = vector.broadcast %rsqrt3A : vector<256x1xf32> to vector<256x64xf32>
    %mul3A_38 = arith.mulf %sub3A_34, %mul3A : vector<256x64xf32>
    %get3A_39 = arith.constant 0 : index
    %get3A_40 = arith.constant 0 : index
    %get3A_41 = vector.load %arg4[%get3A_39, %get3A_40] : memref<1x64xf32, #tpu.memory_space<vmem>>, vector<1x64xf32>
    %get3A_42 = vector.shape_cast %get3A_41 : vector<1x64xf32> to vector<64xf32>
    %broadcast_in_dim3A_43 = vector.shape_cast %get3A_42 : vector<64xf32> to vector<1x64xf32>
    %mul3A_44 = vector.broadcast %broadcast_in_dim3A_43 : vector<1x64xf32> to vector<256x64xf32>
    %mul3A_45 = arith.mulf %mul3A_38, %mul3A_44 : vector<256x64xf32>
    %get3A_46 = arith.constant 0 : index
    %get3A_47 = arith.constant 0 : index
    %get3A_48 = vector.load %arg5[%get3A_46, %get3A_47] : memref<1x64xf32, #tpu.memory_space<vmem>>, vector<1x64xf32>
    %get3A_49 = vector.shape_cast %get3A_48 : vector<1x64xf32> to vector<64xf32>
    %broadcast_in_dim3A_50 = vector.shape_cast %get3A_49 : vector<64xf32> to vector<1x64xf32>
    %add3A_51 = vector.broadcast %broadcast_in_dim3A_50 : vector<1x64xf32> to vector<256x64xf32>
    %add3A_52 = arith.addf %mul3A_45, %add3A_51 : vector<256x64xf32>
    %max3A_53 = arith.constant 0.000000e+00 : f32
    %max3A_54 = vector.broadcast %max3A_53 : f32 to vector<256x64xf32>
    %max3A_55 = arith.maximumf %add3A_52, %max3A_54 : vector<256x64xf32>
    %swap3A = arith.constant 0 : index
    %swap3A_56 = arith.constant 0 : index
    %swap3A_57 = arith.constant 0 : index
    %swap3A_58 = vector.load %arg8[%swap3A, %swap3A_56, %swap3A_57] : memref<1x256x64xf32, #tpu.memory_space<vmem>>, vector<1x256x64xf32>
    %swap3A_59 = vector.shape_cast %swap3A_58 : vector<1x256x64xf32> to vector<256x64xf32>
    %swap3A_60 = vector.shape_cast %max3A_55 : vector<256x64xf32> to vector<1x256x64xf32>
    tpu.vector_store %arg8[%swap3A, %swap3A_56, %swap3A_57], %swap3A_60 {strides = array<i32>} : memref<1x256x64xf32, #tpu.memory_space<vmem>>, vector<1x256x64xf32>,
    %broadcast_in_dim3A_61 = arith.constant 1.000000e+00 : f32
    %broadcast_in_dim3A_62 = vector.broadcast %broadcast_in_dim3A_61 : f32 to vector<256x1xf32>
    %concatenate3A = tpu.concatenate %max3A_55, %broadcast_in_dim3A_62 in 1 : vector<256x64xf32>, vector<256x1xf32> -> vector<256x65xf32>
    %get3A_63 = arith.constant 0 : index
    %get3A_64 = arith.constant 0 : index
    %get3A_65 = vector.load %arg6[%get3A_63, %get3A_64] : memref<8192x65xf32, #tpu.memory_space<vmem>>, vector<8192x65xf32>
    %dot_general3A_66 = arith.constant dense<0.000000e+00> : vector<256x8192xf32>
    %dot_general3A_67 = tpu.matmul %concatenate3A, %get3A_65, %dot_general3A_66 {dimension_numbers = #tpu.dot_dimension_numbers<[1], [1], [0], [0], [0, 0, 1, 0], [], []>, transpose_lhs_hint = false} : vector<256x65xf32>, vector<8192x65xf32>, vector<256x8192xf32> -> vector<256x8192xf32>
    %argmin3A = tpu.reduce_index %dot_general3A_67 {axis = 1 : i32, kind = #tpu.reduction_kind<arg_min>} : vector<256x8192xf32> -> vector<256xi32>
    %broadcast_in_dim3A_68 = vector.shape_cast %argmin3A : vector<256xi32> to vector<256x1xi32>
    %swap3A_69 = arith.constant 0 : index
    %swap3A_70 = arith.constant 0 : index
    %swap3A_71 = arith.constant 0 : index
    %swap3A_72 = vector.load %arg9[%swap3A_69, %swap3A_70, %swap3A_71] : memref<1x256x1xi32, #tpu.memory_space<vmem>>, vector<1x256x1xi32>
    %swap3A_73 = vector.shape_cast %swap3A_72 : vector<1x256x1xi32> to vector<256x1xi32>
    %swap3A_74 = vector.shape_cast %broadcast_in_dim3A_68 : vector<256x1xi32> to vector<1x256x1xi32>
    tpu.vector_store %arg9[%swap3A_69, %swap3A_70, %swap3A_71], %swap3A_74 {strides = array<i32>} : memref<1x256x1xi32, #tpu.memory_space<vmem>>, vector<1x256x1xi32>,
    return
  }
  func.func @transform_0(%arg0: i32) -> (i32, i32, i32) {
    %c0_i32 = arith.constant 0 : i32
    %c0_i32_0 = arith.constant 0 : i32
    %c0_i32_1 = arith.constant 0 : i32
    return %arg0, %c0_i32, %c0_i32_0 : i32, i32, i32
  }
  func.func @transform_1(%arg0: i32) -> (i32, i32) {
    %c0_i32 = arith.constant 0 : i32
    %c0_i32_0 = arith.constant 0 : i32
    %c0_i32_1 = arith.constant 0 : i32
    return %c0_i32, %c0_i32_0 : i32, i32
  }
  func.func @transform_2(%arg0: i32) -> (i32, i32) {
    %c0_i32 = arith.constant 0 : i32
    %c0_i32_0 = arith.constant 0 : i32
    %c0_i32_1 = arith.constant 0 : i32
    return %c0_i32, %c0_i32_0 : i32, i32
  }
  func.func @transform_3(%arg0: i32) -> (i32, i32) {
    %c0_i32 = arith.constant 0 : i32
    %c0_i32_0 = arith.constant 0 : i32
    %c0_i32_1 = arith.constant 0 : i32
    return %c0_i32, %c0_i32_0 : i32, i32
  }
  func.func @transform_4(%arg0: i32) -> (i32, i32) {
    %c0_i32 = arith.constant 0 : i32
    %c0_i32_0 = arith.constant 0 : i32
    %c0_i32_1 = arith.constant 0 : i32
    return %c0_i32, %c0_i32_0 : i32, i32
  }
  func.func @transform_5(%arg0: i32) -> (i32, i32) {
    %c0_i32 = arith.constant 0 : i32
    %c0_i32_0 = arith.constant 0 : i32
    %c0_i32_1 = arith.constant 0 : i32
    return %c0_i32, %c0_i32_0 : i32, i32
  }
  func.func @transform_6(%arg0: i32) -> (i32, i32) {
    %c0_i32 = arith.constant 0 : i32
    %c0_i32_0 = arith.constant 0 : i32
    %c0_i32_1 = arith.constant 0 : i32
    return %c0_i32, %c0_i32_0 : i32, i32
  }
  func.func @transform_7(%arg0: i32) -> (i32, i32, i32) {
    %c0_i32 = arith.constant 0 : i32
    %c0_i32_0 = arith.constant 0 : i32
    %c0_i32_1 = arith.constant 0 : i32
    return %arg0, %c0_i32, %c0_i32_0 : i32, i32, i32
  }
  func.func @transform_8(%arg0: i32) -> (i32, i32, i32) {
    %c0_i32 = arith.constant 0 : i32
    %c0_i32_0 = arith.constant 0 : i32
    %c0_i32_1 = arith.constant 0 : i32
    return %arg0, %c0_i32, %c0_i32_0 : i32, i32, i32
  }
}

module attributes {stable_mosaic.version = 14 : i64} {
  func.func @_finish_body(%arg0: i32, %arg1: memref<1x256x128xf32, #tpu.memory_space<vmem>>, %arg2: memref<1x256x64xf32, #tpu.memory_space<vmem>>, %arg3: memref<1x256x1xi32, #tpu.memory_space<vmem>>, %arg4: memref<1x256x1xf32, #tpu.memory_space<vmem>>, %arg5: memref<256x64xf32, #tpu.memory_space<vmem>>, %arg6: memref<1x64xf32, #tpu.memory_space<vmem>>, %arg7: memref<1x64xf32, #tpu.memory_space<vmem>>, %arg8: memref<1x64xf32, #tpu.memory_space<vmem>>, %arg9: memref<1x256x64xf32, #tpu.memory_space<vmem>>, %arg10: memref<1x256x1xi32, #tpu.memory_space<vmem>>) attributes {dimension_semantics = [#tpu.dimension_semantics<arbitrary>], iteration_bounds = array<i64: 16>, scalar_prefetch = 0 : i64, scratch_operands = 0 : i64, tpu.core_type = #tpu.core_type<tc>, window_params = [{transform_indices = @transform_0, window_bounds = array<i64: 1, 256, 128>}, {transform_indices = @transform_1, window_bounds = array<i64: 1, 256, 64>}, {transform_indices = @transform_2, window_bounds = array<i64: 1, 256, 1>}, {transform_indices = @transform_3, window_bounds = array<i64: 1, 256, 1>}, {pipeline_mode = #tpu.pipeline_mode<synchronous>, transform_indices = @transform_4, window_bounds = array<i64: 256, 64>}, {pipeline_mode = #tpu.pipeline_mode<synchronous>, transform_indices = @transform_5, window_bounds = array<i64: 1, 64>}, {pipeline_mode = #tpu.pipeline_mode<synchronous>, transform_indices = @transform_6, window_bounds = array<i64: 1, 64>}, {pipeline_mode = #tpu.pipeline_mode<synchronous>, transform_indices = @transform_7, window_bounds = array<i64: 1, 64>}, {transform_indices = @transform_8, window_bounds = array<i64: 1, 256, 64>}, {transform_indices = @transform_9, window_bounds = array<i64: 1, 256, 1>}]} {
    %get3A = arith.constant 0 : index
    %get3A_0 = arith.constant 0 : index
    %get3A_1 = arith.constant 0 : index
    %get3A_2 = vector.load %arg3[%get3A, %get3A_0, %get3A_1] : memref<1x256x1xi32, #tpu.memory_space<vmem>>, vector<1x256x1xi32>
    %get3A_3 = vector.shape_cast %get3A_2 : vector<1x256x1xi32> to vector<256x1xi32>
    %get3A_4 = arith.constant 0 : index
    %get3A_5 = arith.constant 0 : index
    %get3A_6 = arith.constant 0 : index
    %get3A_7 = vector.load %arg4[%get3A_4, %get3A_5, %get3A_6] : memref<1x256x1xf32, #tpu.memory_space<vmem>>, vector<1x256x1xf32>
    %get3A_8 = vector.shape_cast %get3A_7 : vector<1x256x1xf32> to vector<256x1xf32>
    %iota3A = tpu.iota {dimensions = array<i32: 0>} : vector<256x1xi32>
    %eq3A = arith.constant 172 : i32
    %eq3A_9 = vector.broadcast %eq3A : i32 to vector<256x1xi32>
    %eq3A_10 = arith.cmpi eq, %iota3A, %eq3A_9 : vector<256x1xi32>
    %jit3A = arith.constant 0 : i32
    %broadcast_in_dim3A = vector.broadcast %jit3A : i32 to vector<256x1xi32>
    %select_n3A = arith.select %eq3A_10, %get3A_3, %broadcast_in_dim3A : vector<256x1xi1>, vector<256x1xi32>
    %reduce_sum3A = arith.constant dense<0> : vector<1xi32>
    %reduce_sum3A_11 = vector.multi_reduction <add>, %select_n3A, %reduce_sum3A [0] : vector<256x1xi32> to vector<1xi32>
    %broadcast_in_dim3A_12 = vector.shape_cast %reduce_sum3A_11 : vector<1xi32> to vector<1x1xi32>
    %eq3A_13 = vector.broadcast %broadcast_in_dim3A_12 : vector<1x1xi32> to vector<256x1xi32>
    %eq3A_14 = arith.cmpi eq, %get3A_3, %eq3A_13 : vector<256x1xi32>
    %gt3A = arith.constant 5.000000e-01 : f32
    %gt3A_15 = vector.broadcast %gt3A : f32 to vector<256x1xf32>
    %gt3A_16 = arith.cmpf ogt, %get3A_8, %gt3A_15 : vector<256x1xf32>
    %and3A = arith.andi %eq3A_14, %gt3A_16 : vector<256x1xi1>
    %convert_element_type3A = arith.extui %and3A : vector<256x1xi1> to vector<256x1xi32>
    %convert_element_type3A_17 = arith.sitofp %convert_element_type3A : vector<256x1xi32> to vector<256x1xf32>
    %get3A_18 = arith.constant 0 : index
    %get3A_19 = arith.constant 0 : index
    %get3A_20 = arith.constant 0 : index
    %get3A_21 = vector.load %arg1[%get3A_18, %get3A_19, %get3A_20] : memref<1x256x128xf32, #tpu.memory_space<vmem>>, vector<1x256x128xf32>
    %get3A_22 = vector.shape_cast %get3A_21 : vector<1x256x128xf32> to vector<256x128xf32>
    %slice3A = vector.extract_strided_slice %get3A_22 {offsets = [0, 0], sizes = [256, 64], strides = [1, 1]} : vector<256x128xf32> to vector<256x64xf32>
    %get3A_23 = arith.constant 0 : index
    %get3A_24 = arith.constant 0 : index
    %get3A_25 = arith.constant 0 : index
    %get3A_26 = vector.load %arg2[%get3A_23, %get3A_24, %get3A_25] : memref<1x256x64xf32, #tpu.memory_space<vmem>>, vector<1x256x64xf32>
    %get3A_27 = vector.shape_cast %get3A_26 : vector<1x256x64xf32> to vector<256x64xf32>
    %add3A = arith.addf %slice3A, %get3A_27 : vector<256x64xf32>
    %sub3A = arith.constant 1.000000e+00 : f32
    %sub3A_28 = vector.broadcast %sub3A : f32 to vector<256x1xf32>
    %sub3A_29 = arith.subf %sub3A_28, %convert_element_type3A_17 : vector<256x1xf32>
    %mul3A = vector.broadcast %sub3A_29 : vector<256x1xf32> to vector<256x64xf32>
    %mul3A_30 = arith.mulf %add3A, %mul3A : vector<256x64xf32>
    %get3A_31 = arith.constant 0 : index
    %get3A_32 = arith.constant 0 : index
    %get3A_33 = vector.load %arg6[%get3A_31, %get3A_32] : memref<1x64xf32, #tpu.memory_space<vmem>>, vector<1x64xf32>
    %get3A_34 = vector.shape_cast %get3A_33 : vector<1x64xf32> to vector<64xf32>
    %broadcast_in_dim3A_35 = vector.shape_cast %get3A_34 : vector<64xf32> to vector<1x64xf32>
    %mul3A_36 = vector.broadcast %broadcast_in_dim3A_35 : vector<1x64xf32> to vector<256x64xf32>
    %mul3A_37 = vector.broadcast %convert_element_type3A_17 : vector<256x1xf32> to vector<256x64xf32>
    %mul3A_38 = arith.mulf %mul3A_36, %mul3A_37 : vector<256x64xf32>
    %add3A_39 = arith.addf %mul3A_30, %mul3A_38 : vector<256x64xf32>
    %get3A_40 = arith.constant 0 : index
    %get3A_41 = arith.constant 0 : index
    %get3A_42 = vector.load %arg5[%get3A_40, %get3A_41] : memref<256x64xf32, #tpu.memory_space<vmem>>, vector<256x64xf32>
    %add3A_43 = arith.addf %add3A_39, %get3A_42 : vector<256x64xf32>
    %reduce_sum3A_44 = arith.constant dense<0.000000e+00> : vector<256xf32>
    %reduce_sum3A_45 = vector.multi_reduction <add>, %add3A_43, %reduce_sum3A_44 [1] : vector<256x64xf32> to vector<256xf32>
    %broadcast_in_dim3A_46 = vector.shape_cast %reduce_sum3A_45 : vector<256xf32> to vector<256x1xf32>
    %div3A = arith.constant 6.400000e+01 : f32
    %div3A_47 = vector.broadcast %div3A : f32 to vector<256x1xf32>
    %div3A_48 = arith.divf %broadcast_in_dim3A_46, %div3A_47 : vector<256x1xf32>
    %sub3A_49 = vector.broadcast %div3A_48 : vector<256x1xf32> to vector<256x64xf32>
    %sub3A_50 = arith.subf %add3A_43, %sub3A_49 : vector<256x64xf32>
    %integer_pow3A = arith.mulf %sub3A_50, %sub3A_50 : vector<256x64xf32>
    %reduce_sum3A_51 = arith.constant dense<0.000000e+00> : vector<256xf32>
    %reduce_sum3A_52 = vector.multi_reduction <add>, %integer_pow3A, %reduce_sum3A_51 [1] : vector<256x64xf32> to vector<256xf32>
    %broadcast_in_dim3A_53 = vector.shape_cast %reduce_sum3A_52 : vector<256xf32> to vector<256x1xf32>
    %div3A_54 = arith.constant 6.400000e+01 : f32
    %div3A_55 = vector.broadcast %div3A_54 : f32 to vector<256x1xf32>
    %div3A_56 = arith.divf %broadcast_in_dim3A_53, %div3A_55 : vector<256x1xf32>
    %sub3A_57 = vector.broadcast %div3A_48 : vector<256x1xf32> to vector<256x64xf32>
    %sub3A_58 = arith.subf %add3A_43, %sub3A_57 : vector<256x64xf32>
    %add3A_59 = arith.constant 9.99999974E-6 : f32
    %add3A_60 = vector.broadcast %add3A_59 : f32 to vector<256x1xf32>
    %add3A_61 = arith.addf %div3A_56, %add3A_60 : vector<256x1xf32>
    %rsqrt3A = math.rsqrt %add3A_61 : vector<256x1xf32>
    %mul3A_62 = vector.broadcast %rsqrt3A : vector<256x1xf32> to vector<256x64xf32>
    %mul3A_63 = arith.mulf %sub3A_58, %mul3A_62 : vector<256x64xf32>
    %get3A_64 = arith.constant 0 : index
    %get3A_65 = arith.constant 0 : index
    %get3A_66 = vector.load %arg7[%get3A_64, %get3A_65] : memref<1x64xf32, #tpu.memory_space<vmem>>, vector<1x64xf32>
    %get3A_67 = vector.shape_cast %get3A_66 : vector<1x64xf32> to vector<64xf32>
    %broadcast_in_dim3A_68 = vector.shape_cast %get3A_67 : vector<64xf32> to vector<1x64xf32>
    %mul3A_69 = vector.broadcast %broadcast_in_dim3A_68 : vector<1x64xf32> to vector<256x64xf32>
    %mul3A_70 = arith.mulf %mul3A_63, %mul3A_69 : vector<256x64xf32>
    %get3A_71 = arith.constant 0 : index
    %get3A_72 = arith.constant 0 : index
    %get3A_73 = vector.load %arg8[%get3A_71, %get3A_72] : memref<1x64xf32, #tpu.memory_space<vmem>>, vector<1x64xf32>
    %get3A_74 = vector.shape_cast %get3A_73 : vector<1x64xf32> to vector<64xf32>
    %broadcast_in_dim3A_75 = vector.shape_cast %get3A_74 : vector<64xf32> to vector<1x64xf32>
    %add3A_76 = vector.broadcast %broadcast_in_dim3A_75 : vector<1x64xf32> to vector<256x64xf32>
    %add3A_77 = arith.addf %mul3A_70, %add3A_76 : vector<256x64xf32>
    %swap3A = arith.constant 0 : index
    %swap3A_78 = arith.constant 0 : index
    %swap3A_79 = arith.constant 0 : index
    %swap3A_80 = vector.load %arg9[%swap3A, %swap3A_78, %swap3A_79] : memref<1x256x64xf32, #tpu.memory_space<vmem>>, vector<1x256x64xf32>
    %swap3A_81 = vector.shape_cast %swap3A_80 : vector<1x256x64xf32> to vector<256x64xf32>
    %swap3A_82 = vector.shape_cast %add3A_77 : vector<256x64xf32> to vector<1x256x64xf32>
    tpu.vector_store %arg9[%swap3A, %swap3A_78, %swap3A_79], %swap3A_82 {strides = array<i32>} : memref<1x256x64xf32, #tpu.memory_space<vmem>>, vector<1x256x64xf32>,
    %jit3A_83 = arith.constant -100 : i32
    %broadcast_in_dim3A_84 = vector.broadcast %jit3A_83 : i32 to vector<256x1xi32>
    %select_n3A_85 = arith.select %and3A, %get3A_3, %broadcast_in_dim3A_84 : vector<256x1xi1>, vector<256x1xi32>
    %swap3A_86 = arith.constant 0 : index
    %swap3A_87 = arith.constant 0 : index
    %swap3A_88 = arith.constant 0 : index
    %swap3A_89 = vector.load %arg10[%swap3A_86, %swap3A_87, %swap3A_88] : memref<1x256x1xi32, #tpu.memory_space<vmem>>, vector<1x256x1xi32>
    %swap3A_90 = vector.shape_cast %swap3A_89 : vector<1x256x1xi32> to vector<256x1xi32>
    %swap3A_91 = vector.shape_cast %select_n3A_85 : vector<256x1xi32> to vector<1x256x1xi32>
    tpu.vector_store %arg10[%swap3A_86, %swap3A_87, %swap3A_88], %swap3A_91 {strides = array<i32>} : memref<1x256x1xi32, #tpu.memory_space<vmem>>, vector<1x256x1xi32>,
    return
  }
  func.func @transform_0(%arg0: i32) -> (i32, i32, i32) {
    %c0_i32 = arith.constant 0 : i32
    %c0_i32_0 = arith.constant 0 : i32
    %c0_i32_1 = arith.constant 0 : i32
    return %arg0, %c0_i32, %c0_i32_0 : i32, i32, i32
  }
  func.func @transform_1(%arg0: i32) -> (i32, i32, i32) {
    %c0_i32 = arith.constant 0 : i32
    %c0_i32_0 = arith.constant 0 : i32
    %c0_i32_1 = arith.constant 0 : i32
    return %arg0, %c0_i32, %c0_i32_0 : i32, i32, i32
  }
  func.func @transform_2(%arg0: i32) -> (i32, i32, i32) {
    %c0_i32 = arith.constant 0 : i32
    %c0_i32_0 = arith.constant 0 : i32
    %c0_i32_1 = arith.constant 0 : i32
    return %arg0, %c0_i32, %c0_i32_0 : i32, i32, i32
  }
  func.func @transform_3(%arg0: i32) -> (i32, i32, i32) {
    %c0_i32 = arith.constant 0 : i32
    %c0_i32_0 = arith.constant 0 : i32
    %c0_i32_1 = arith.constant 0 : i32
    return %arg0, %c0_i32, %c0_i32_0 : i32, i32, i32
  }
  func.func @transform_4(%arg0: i32) -> (i32, i32) {
    %c0_i32 = arith.constant 0 : i32
    %c0_i32_0 = arith.constant 0 : i32
    %c0_i32_1 = arith.constant 0 : i32
    return %c0_i32, %c0_i32_0 : i32, i32
  }
  func.func @transform_5(%arg0: i32) -> (i32, i32) {
    %c0_i32 = arith.constant 0 : i32
    %c0_i32_0 = arith.constant 0 : i32
    %c0_i32_1 = arith.constant 0 : i32
    return %c0_i32, %c0_i32_0 : i32, i32
  }
  func.func @transform_6(%arg0: i32) -> (i32, i32) {
    %c0_i32 = arith.constant 0 : i32
    %c0_i32_0 = arith.constant 0 : i32
    %c0_i32_1 = arith.constant 0 : i32
    return %c0_i32, %c0_i32_0 : i32, i32
  }
  func.func @transform_7(%arg0: i32) -> (i32, i32) {
    %c0_i32 = arith.constant 0 : i32
    %c0_i32_0 = arith.constant 0 : i32
    %c0_i32_1 = arith.constant 0 : i32
    return %c0_i32, %c0_i32_0 : i32, i32
  }
  func.func @transform_8(%arg0: i32) -> (i32, i32, i32) {
    %c0_i32 = arith.constant 0 : i32
    %c0_i32_0 = arith.constant 0 : i32
    %c0_i32_1 = arith.constant 0 : i32
    return %arg0, %c0_i32, %c0_i32_0 : i32, i32, i32
  }
  func.func @transform_9(%arg0: i32) -> (i32, i32, i32) {
    %c0_i32 = arith.constant 0 : i32
    %c0_i32_0 = arith.constant 0 : i32
    %c0_i32_1 = arith.constant 0 : i32
    return %arg0, %c0_i32, %c0_i32_0 : i32, i32, i32
  }
}

</mosaic_0001>

<sc_bundles>
// kernel: kernel.6.cloned.1.call-start
scs
__scs_entry_jumppad:
0x0: {  	(pc) =	sbr.rel $0x88, $3  }
0x1: {  	(tag) =	ssettag $0x0;
	lr =	simm.s32 $0x1  }
0x2: {  	[smem:$0x3F96] =	sst lr;
	_ =	strace $0xD0000000  }
0x3: {  	_ = 	snop  }
0x4: {  	_ = 	snop  }
0x5: {  	_ = 	snop  }
0x6: {  	_ = 	snop  }
0x7: {  	_ = 	snop  }
__scs_overlays_trampoline_lowered:
0x8: {  	[smem:$0x3FA5] =	sst s0  }
0x9: {  	[smem:$0x3FA6] =	sst s1  }
0xa: {  	[smem:$0x3FA7] =	sst s2  }
0xb: {  	[smem:$0x3FA8] =	sst s3  }
0xc: {  	[smem:$0x3FA9] =	sst s4  }
0xd: {  	[smem:$0x3FAA] =	sst s5  }
0xe: {  	[smem:$0x3FAB] =	sst s6  }
0xf: {  	[smem:$0x3FAC] =	sst s7  }
0x10: {  	[smem:$0x3FAD] =	sst s8  }
0x11: {  	[smem:$0x3FAE] =	sst s9;
	s0 =	simm.s32 @!p0 $0x0  }
0x12: {  	s1 =	sld [smem:$0x3F94];
	s0 =	simm.s32 @p0 $0x1  }
0x13: {  	[smem:$0x3FAF] =	sst s0;
	s0 =	simm.s32 @!p1 $0x0  }
0x14: {  	s2 =	sld [smem:$0x3F93];
	s0 =	simm.s32 @p1 $0x1  }
0x15: {  	[smem:$0x3FB0] =	sst s0;
	s0 =	simm.s32 @!p2 $0x0  }
0x16: {  	s3 =	sld [smem:$0x3FDB];
	s0 =	simm.s32 @p2 $0x1  }
0x17: {  	s4 =	simm.s32 $0x1BF5;
	[smem:$0x3FB2] =	sst s0  }
0x18: {  	s0 =	sld [smem:$0x3F95];
	_ =	swait.ge [sflag:s4], $0x0  }
0x19: {  	s7 =	sld [smem:$0x3F96]  }
0x1a: {  	s8 =	sadd.s32 $0xFFFFE003, lr  }
0x1b: {  	s9 =	sadd.s32 $0xFFFFFEF7, lr;
	s5 =	simm.s32 $0xFFFFFFFF;
	p2 =	slt.u32 s8, $0xFFFFF086  }
0x1c: {  	p1 =	slt.u32 s9, $0xF7A;
	s5 =	simm.s32 @!p2 $0x0  }
0x1d: {  	s5 =	simm.s32 @p1 $0x1;
	p0 =	seq.s32 s7, s2  }
0x1e: {  	s7 =	smul.u32 @!p0 $0xF7A, s2;
	p2 =	seq.s32 @!p0 s5, $0x0  }
0x1f: {  	s9 =	smul.u32 $0xF7A, s1;
	s8 =	simm.s32 @!p0 $0x1BF5;
	p2 =	por !p2, p0  }
0x20: {  	[sflag:s8] =	ssyncset.s32 @!p0 $0xFFFFF086;
	s6 =	sadd.s32 @!p0 s3, s7;
	s7 =	simm.s32 @!p0 $0x108  }
0x21: {  	s3 =	sadd.s32 s3, s9;
	s6 =	sadd.s32 @!p0 $0x88, s6;
	s7 =	simm.s32 @p2 $0x1082  }
0x22: {  	[simem:s7], [sflag:s8] =	dma.local @!p0 [hbm:s6], $0xF7A  }
0x23: {  	s9 =	sor.u32 $0xD0000000, s2;
	s6 =	simm.s32 $0x108;
	_ =	swait.ge @!p0 [sflag:s8], $0x0  }
0x24: {  	s3 =	sadd.s32 $0x88, s3;
	s6 =	simm.s32 @!p1 $0x1082;
	[sflag:s4] =	ssyncset.s32 $0xFFFFF086  }
0x25: {  	[simem:s6], [sflag:s4] =	dma.local [hbm:s3], $0xF7A  }
0x26: {  	[smem:$0x3F96] =	sst s1;
	(tag) =	ssettag s2;
	_ =	strace s9  }
0x27: {  	s1 =	sld [smem:$0x3FA6]  }
0x28: {  	s2 =	sld [smem:$0x3FA7]  }
0x29: {  	s4 =	sld [smem:$0x3FA9]  }
0x2a: {  	p0 =	seq.s32 s5, $0x0;
	s5 =	sld [smem:$0x3FAA]  }
0x2b: {  	s6 =	sld [smem:$0x3FAB]  }
0x2c: {  	s7 =	sld [smem:$0x3FAC]  }
0x2d: {  	s3 =	simm.s32 $0x108;
	s8 =	sld [smem:$0x3FAD]  }
0x2e: {  	s3 =	simm.s32 @!p0 $0x1082;
	s9 =	sld [smem:$0x3FAE]  }
0x2f: {  	lr =	sadd.s32 s0, s3;
	s0 =	sld [smem:$0x3FA5]  }
0x30: {  	s3 =	sld [smem:$0x3FA8]  }
0x31: {  	[smem:$0x3FB1] =	sst s10  }
0x32: {  	s10 =	sld [smem:$0x3FAF];
	_ =	sdelay $0x3  }
0x33: {  	p0 =	seq.s32 s10, $0x1;
	s10 =	sld [smem:$0x3FB1];
	_ =	sdelay $0x3  }
0x34: {  	[smem:$0x3FB1] =	sst s10  }
0x35: {  	s10 =	sld [smem:$0x3FB0];
	_ =	sdelay $0x3  }
0x36: {  	p1 =	seq.s32 s10, $0x1;
	s10 =	sld [smem:$0x3FB1];
	_ =	sdelay $0x3  }
0x37: {  	[smem:$0x3FB1] =	sst s10  }
0x38: {  	s10 =	sld [smem:$0x3FB2]  }
0x39: {  	_ = 	snop;
	(pc) =	sbr.ind lr, $3  }
0x3a: {  	_ = 	snop  }
0x3b: {  	_ = 	snop  }
0x3c: {  	p2 =	seq.s32 s10, $0x1;
	s10 =	sld [smem:$0x3FB1]  }
0x3d: {  	_ =	shalt  }
0x3e: {  	_ =	shalt  }
0x3f: {  	_ =	shalt  }
0x40: {  	_ =	shalt  }
0x41: {  	_ =	shalt  }
0x42: {  	_ =	shalt  }
0x43: {  	_ =	shalt  }
0x44: {  	_ =	shalt  }
0x45: {  	_ =	shalt  }
0x46: {  	_ =	shalt  }
0x47: {  	_ =	shalt  }
0x48: {  	_ =	shalt  }
0x49: {  	_ =	shalt  }
0x4a: {  	_ =	shalt  }
0x4b: {  	_ =	shalt  }
0x4c: {  	_ =	shalt  }
0x4d: {  	_ =	shalt  }
0x4e: {  	_ =	shalt  }
0x4f: {  	_ =	shalt  }
0x50: {  	_ =	shalt  }
0x51: {  	_ =	shalt  }
0x52: {  	_ =	shalt  }
0x53: {  	_ =	shalt  }
0x54: {  	_ =	shalt  }
0x55: {  	_ =	shalt  }
0x56: {  	_ =	shalt  }
0x57: {  	_ =	shalt  }
0x58: {  	_ =	shalt  }
0x59: {  	_ =	shalt  }
0x5a: {  	_ =	shalt  }
0x5b: {  	_ =	shalt  }
0x5c: {  	_ =	shalt  }
0x5d: {  	_ =	shalt  }
0x5e: {  	_ =	shalt  }
0x5f: {  	_ =	shalt  }
0x60: {  	_ =	shalt  }
0x61: {  	_ =	shalt  }
0x62: {  	_ =	shalt  }
0x63: {  	_ =	shalt  }
0x64: {  	_ =	shalt  }
0x65: {  	_ =	shalt  }
0x66: {  	_ =	shalt  }
0x67: {  	_ =	shalt  }
0x68: {  	_ =	shalt  }
0x69: {  	_ =	shalt  }
0x6a: {  	_ =	shalt  }
0x6b: {  	_ =	shalt  }
0x6c: {  	_ =	shalt  }
0x6d: {  	_ =	shalt  }
0x6e: {  	_ =	shalt  }
0x6f: {  	_ =	shalt  }
0x70: {  	_ =	shalt  }
0x71: {  	_ =	shalt  }
0x72: {  	_ =	shalt  }
0x73: {  	_ =	shalt  }
0x74: {  	_ =	shalt  }
0x75: {  	_ =	shalt  }
0x76: {  	_ =	shalt  }
0x77: {  	_ =	shalt  }
0x78: {  	_ =	shalt  }
0x79: {  	_ =	shalt  }
0x7a: {  	_ =	shalt  }
0x7b: {  	_ =	shalt  }
0x7c: {  	_ =	shalt  }
0x7d: {  	_ =	shalt  }
0x7e: {  	_ =	shalt  }
0x7f: {  	_ =	shalt  }
0x80: {  	_ =	shalt  }
0x81: {  	_ =	shalt  }
0x82: {  	_ =	shalt  }
0x83: {  	_ =	shalt  }
0x84: {  	_ =	shalt  }
0x85: {  	_ =	shalt  }
0x86: {  	_ =	shalt  }
0x87: {  	_ =	shalt  }
.Lfunc_end0:
.L_simem_size_0:
called_computation_lowered:
.L_overlay_start_0:
0x88: {  	s2 =	sld [smem:$0x3FD9]  }
0x89: {  	s3 =	sld [smem:$0x3FFE];
	_ =	sdelay $0x1  }
0x8a: {  	s1 =	srdreg.scid  }
0x8b: {  	s0 =	sand.u32 $0x1, s1  }
0x8c: {  	s14 =	sshll.u32 s0, $0xA;
	s2 =	sadd.s32 s3, s2  }
0x8d: {  	s2 =	sadd.s32 s2, s14  }
0x8e: {  	[smem:$0x3FBD] =	sst s2  }
0x8f: {  	_ = 	snop  }
0x90: {  	s2 =	sld [smem:$0x3FD0];
	_ =	sdelay $0x2  }
0x91: {  	s15 =	simm.s32 $0xA;
	s4 =	simm.s32 $0x10  }
0x92: {  	[smem:s4], [sflag:s15] =	dma.local [hbm:s2], $0x1  }
0x93: {  	_ =	swait.eq [sflag:s15], $0x1  }
0x94: {  	[sflag:s15] =	ssyncset.done $0x0  }
0x95: {  	[sflag:s15] =	ssyncadd.s32 $0xFFFFFFFF  }
0x96: {  	s16 =	sld [smem:$0x12];
	(tm) =	ssettm $0x1  }
0x97: {  	s17 =	sld [smem:$0x3FFB];
	_ =	sdelay $0x3  }
0x98: {  	_ =	strace s17  }
0x99: {  	s3 =	sld [smem:$0x3FFC];
	_ =	sdelay $0x3  }
0x9a: {  	_ =	strace s3  }
0x9b: {  	s3 =	sld [smem:$0x3FFD];
	_ =	sdelay $0x3  }
0x9c: {  	_ =	strace s3  }
0x9d: {  	_ =	strace $0x8FFFFFFF  }
0x9e: {  	s18 =	sld [smem:$0x3FDB];
	_ =	sdelay $0x1  }
0x9f: {  	s19 =	simm.s32 $_scs_section_size  }
0xa0: {  	s5 =	simm.s32 $_size__tile_overlayer_lowered;
	s6 =	simm.s32 $_tile_overlayer_lowered  }
0xa1: {  	s22 =	simm.s32 $0x1BFF;
	s21 =	sshll.u32 s6, $0x1;
	s3 =	sadd.s32 s19, s18  }
0xa2: {  	s7 =	simm.s32 $0x0;
	s20 =	sshll.u32 s5, $0x1;
	s5 =	sadd.s32 s21, s3  }
0xa3: {  	[timem:s7], [sflag:s22] =	dma.local [hbm:s5], s20  }
0xa4: {  	_ =	swait.ge [sflag:s22], s20  }
0xa5: {  	s4 =	ssub.s32 $0x0, s20;
	[sflag:s22] =	ssyncset.done $0x0  }
0xa6: {  	[sflag:s22] =	ssyncadd.s32 s4;
	_ =	sdelay $0x1  }
0xa7: {  	s23 =	simm.s32 $0x1B8B  }
0xa8: {  	_ =	swait.ge [sflag:s23], $0x1  }
0xa9: {  	[sflag:s23] =	ssyncset.done $0x0  }
0xaa: {  	s25 =	simm.s32 $0x1B8E;
	s24 =	sld [smem:$0x3FFE];
	[sflag:s23] =	ssyncadd.s32 $0xFFFFFFFF  }
0xab: {  	s26 =	simm.s32 $execute0_lowered;
	[smem:$0x3FD2] =	sst s25  }
0xac: {  	s5 =	sshll.u32 s26, $0x1;
	_ =	strace $0x80000046;
	[dreg:$0x1] =	wrdreg $0xFFFFFFFF  }
0xad: {  	s28 =	simm.s32 $_size_execute0_lowered;
	s3 =	sadd.s32 s3, s5;
	[dreg:$0x0] =	wrdreg $0x0  }
0xae: {  	s5 =	sshll.u32 s28, $0x1;
	[dreg:$0x2] =	wrdreg s3  }
0xaf: {  	[dreg:$0x3] =	wrdreg s5  }
0xb0: {  	[dreg:$0x4] =	wrdreg $0xC0  }
0xb1: {  	_ =	task [dreg:s7], $0x5FFFF  }
0xb2: {  	[dreg:$0x1] =	wrdreg $0xFFFFFFFF  }
0xb3: {  	[dreg:$0x0] =	wrdreg $0x60  }
0xb4: {  	[dreg:$0x2] =	wrdreg s24  }
0xb5: {  	[dreg:$0x3] =	wrdreg s16  }
0xb6: {  	[dreg:$0x4] =	wrdreg $0x9  }
0xb7: {  	_ =	task.clear_ibuf [dreg:s7], $0x5FFFF;
	_ =	strace $0x90000046  }
0xb8: {  	s29 =	simm.s32 $0x9;
	_ =	strace $0x80000048  }
0xb9: {  	_ =	swait.ge [sflag:s29], $0x1  }
0xba: {  	[sflag:s29] =	ssyncadd.s32 $0xFFFFFFFF  }
0xbb: {  	_ =	strace $0x90000048  }
0xbc: {  	_ =	sfence  }
0xbd: {  	s30 =	sld [smem:$0x0];
	_ =	sdelay $0x2  }
0xbe: {  	s31 =	sshll.u32 s1, $0xD;
	s1 =	sshrl.u32 s1, $0x2  }
0xbf: {  	s3 =	sand.u32 $0x4000, s31;
	s1 =	sadd.s32 s1, s30  }
0xc0: {  	s0 =	sor.u32 s3, s0;
	s1 =	sshll.u32 s1, $0x11  }
0xc1: {  	s0 =	sor.u32 s1, s0  }
0xc2: {  	s0 =	sadd.s32 $0x8F2B, s0  }
0xc3: {  	[sflag:s0] =	ssyncadd.remote.s32 $0x1  }
0xc4: {  	_ =	sfence.sel $0xFFFF  }
0xc5: {  	[dreg:$0x0] =	wrdreg $0xFFFFFFFF;
	(pc) =	sbr.abs _section_cstart, $3  }
0xc6: {  	[dreg:$0x1] =	wrdreg $0xFFFFFFFF  }
0xc7: {  	_ =	task.clear_ibuf [dreg:s7], $0x2FFFF;
	_ =	strace $0x9FFFFFFF  }
0xc8: {  	(tm) =	ssettm $0x7FFFFFFF  }
0xc9: {  	_ =	shalt  }
tec
execute0_lowered:
.L_overlay_start_1:
0x0: {  	(tag) =	ssettag $0x1  }
0x1: {  	s1 =	srdreg.scid  }
0x2: {  	s8 =	rddreg [dreg:$0x0];
	s0 =	stileid.u32  }
0x3: {  	s3 =	rddreg [dreg:$0x1];
	s2 =	simm.s32 $0x0;
	s6 =	sand.u32 $0x1, s1  }
0x4: {  	s4 =	sshll.u32 s0, $0x8;
	s1 =	rddreg [dreg:$0x2];
	s5 =	sshll.u32 s6, $0x7  }
0x5: {  	s7 =	simm.s32 $0x1;
	[smem:$0x7FF] =	sst s2;
	s9 =	sor.u32 s5, s4  }
0x6: {  	_ =	strace $0x80000047;
	s10 =	ssub.s32 $0x2, s6;
	s4 =	sshrl.u32 s9, $0x3  }
0x7: {  	s6 =	simm.s32 $0x80;
	s4 =	sadd.s32 s3, s4;
	s3 =	simm.s32 $0x2  }
0x8: {  	[tilespmem:s2], [sflag:$0x2] =	stream.linear.gather [hbm4b:s4+s2], $0x80, $0x38;
	[tilespmem:$0x4080] =	vst v63  }
0x9: {  	s5 =	sadd.s32 $0x181A00, s8;
	s11 =	sshrl.u32 s10, $0x1;
	_ =	swait.ge [sflag:s3], $0x80  }
0xa: {  	s9 =	sshll.u32 s9, $0x4;
	s31 =	ssub.s32 s10, s11;
	[sflag:s3] =	ssyncset.done $0x0  }
0xb: {  	s8 =	sadd.s32 s9, s8;
	s9 =	smax.u32 s31, $0x1;
	[sflag:s3] =	ssyncadd.s32 $0xFFFFFF80  }
0xc: {  	[tilespmem:s6], [sflag:$0x1] =	stream.indirect.gather [hbm4b:s5+s6], $0x80, s2, s6, $0xb8;
	[tilespmem:$0x4080] =	vst v63  }
0xd: {  	p0 =	sne.s32 s9, $0x1;
	_ =	swait.ge [sflag:s7], $0x4000  }
.Ltmp0:
0xe: {  	[sflag:s7] =	ssyncset.done $0x0;
	(pc) =	sbr.rel @!p0 .LBB2_2-.Ltmp0, $4  }
0xf: {  	s8 =	sadd.s32 $0x1A00, s8;
	[sflag:s7] =	ssyncadd.s32 $0xFFFFC000  }
0x10: {  	[hbm4b:s8+s2] =	stream.linear.scatter [tilespmem:s6], [sflag:$0x2], $0x4000, $0x38;
	[tilespmem:$0x4080] =	vst v63  }
0x11: {  	_ =	swait.ge [sflag:s3], $0x4000  }
0x12: {  	s9 =	sadd.s32 $0xFFFFFFFF, s9;
	[sflag:s3] =	ssyncset.done $0x0  }
.LBB2_1:
0x13: {  	p0 =	sne.s32 s9, $0x1;
	s9 =	sadd.s32 $0xFFFFFFFF, s9;
	[sflag:s3] =	ssyncadd.s32 $0xFFFFC000  }
0x14: {  	[tilespmem:s2], [sflag:$0x2] =	stream.linear.gather [hbm4b:s4+s2], $0x80, $0x38;
	[tilespmem:$0x4080] =	vst v63  }
0x15: {  	_ =	swait.ge [sflag:s3], $0x80  }
0x16: {  	[sflag:s3] =	ssyncset.done $0x0  }
0x17: {  	[sflag:s3] =	ssyncadd.s32 $0xFFFFFF80  }
0x18: {  	[tilespmem:s6], [sflag:$0x1] =	stream.indirect.gather [hbm4b:s5+s6], $0x80, s2, s6, $0xb8;
	[tilespmem:$0x4080] =	vst v63  }
0x19: {  	_ =	swait.ge [sflag:s7], $0x4000  }
.Ltmp1:
0x1a: {  	[sflag:s7] =	ssyncset.done $0x0;
	(pc) =	sbr.rel @p0 .LBB2_1-.Ltmp1, $4  }
0x1b: {  	[sflag:s7] =	ssyncadd.s32 $0xFFFFC000  }
0x1c: {  	[hbm4b:s8+s2] =	stream.linear.scatter [tilespmem:s6], [sflag:$0x2], $0x4000, $0x38;
	[tilespmem:$0x4080] =	vst v63  }
0x1d: {  	_ =	swait.ge [sflag:s3], $0x4000  }
0x1e: {  	[sflag:s3] =	ssyncset.done $0x0  }
.LBB2_2:
0x1f: {  	[sflag:s3] =	ssyncadd.s32 $0xFFFFC000  }
0x20: {  	_ =	sfence.sel $0x180000  }
0x21: {  	[bflag:$0x0] =	sbarrier.arrive $0xFFFF  }
0x22: {  	p0 =	sne.s32 s0, $0x0;
	_ =	strace $0x90000047  }
0x23: {  	s0 =	sadd.s32 @!p0 $0x100000, s1;
	[bflag:$0x2] =	sbarrier.arrive $0xFFFF  }
0x24: {  	[sflag:s0] =	ssyncadd.tile.s32 @!p0 $0x1;
	_ =	shalt  }
.Lfunc_end2:
_tile_overlayer_lowered:
.L_overlay_start_2:
0x25: {  	(tag) =	ssettag $0x2  }
0x26: {  	s0 =	rddreg [dreg:$0x0];
	s2 =	stileid.u32  }
0x27: {  	s1 =	rddreg [dreg:$0x1];
	p0 =	sne.s32 s2, $0x0  }
0x28: {  	s3 =	rddreg [dreg:$0x2];
	[bflag:$0x3] =	sbarrier.arrive $0xFFFF;
	s2 =	simm.s32 @!p0 $0x1C02  }
0x29: {  	[timem:s3], [sflag:s2] =	dma.local @!p0 [hbm:s0], s1  }
0x2a: {  	s0 =	simm.s32 @!p0 $0x2  }
0x2b: {  	_ =	swait.ge @!p0 [sflag:s0], s1  }
0x2c: {  	s1 =	ssub.s32 @!p0 $0x0, s1;
	[sflag:s0] =	ssyncset.done @!p0 $0x0  }
0x2d: {  	[sflag:s0] =	ssyncadd.s32 @!p0 s1  }
0x2e: {  	[bflag:$0x3] =	sbarrier.arrive $0xFFFF  }
0x2f: {  	_ =	shalt  }

</sc_bundles>
